<compile_context>
chip_gen: v7x
topology: tpu7x:2x2x1
jax: 0.10.2.dev20260603
libtpu: 0.0.44.dev20260713+nightly
codegen_flags: <defaults>
</compile_context>

<pallas_src>
import jax
import jax.numpy as jnp
from jax.experimental import pallas as pl
from jax.experimental.pallas import tpu as pltpu

S = 2048
HIDDEN = 1024
INTER = 4096
E = 8
TOPK = 2

LANES = 128
T = 512
FT = 1024
NF = INTER // FT
R = S * TOPK
NT = R // T + (E - 1)


def _router_body(x_ref, gw_ref, logits_ref, w01_ref, i01_ref):
    x = x_ref[...]
    gw = gw_ref[...]
    logits = jnp.dot(x, gw, preferred_element_type=jnp.float32)
    logits_ref[...] = logits
    lane = jax.lax.broadcasted_iota(jnp.int32, logits.shape, 1)
    neg = jnp.float32(-1e30)
    ml = jnp.where(lane < E, logits, neg)
    m0 = jnp.max(ml, axis=1, keepdims=True)
    i0 = jnp.min(jnp.where(ml == m0, lane, E), axis=1, keepdims=True)
    ml2 = jnp.where(lane == i0, neg, ml)
    m1 = jnp.max(ml2, axis=1, keepdims=True)
    i1 = jnp.min(jnp.where(ml2 == m1, lane, E), axis=1, keepdims=True)
    b = jnp.exp(m1 - m0)
    w0 = 1.0 / (1.0 + b)
    w1 = b / (1.0 + b)
    w01_ref[...] = jnp.where(lane == 0, w0, jnp.where(lane == 1, w1, 0.0))
    i01_ref[...] = jnp.where(lane == 0, i0, jnp.where(lane == 1, i1, 0))


def _router(x, gate_w_pad):
    return pl.pallas_call(
        _router_body,
        out_shape=(
            jax.ShapeDtypeStruct((S, LANES), jnp.float32),
            jax.ShapeDtypeStruct((S, LANES), jnp.float32),
            jax.ShapeDtypeStruct((S, LANES), jnp.int32),
        ),
    )(x, gate_w_pad)


def _moe_body(te_ref, tv_ref, x_ref, wg_ref, wv_ref, wo_ref, y_ref):
    f = pl.program_id(1)

    @pl.when(tv_ref[pl.program_id(0)] != 0)
    def _():
        x = x_ref[...]
        g = jnp.dot(x, wg_ref[0].astype(jnp.bfloat16),
                    preferred_element_type=jnp.float32)
        v = jnp.dot(x, wv_ref[0].astype(jnp.bfloat16),
                    preferred_element_type=jnp.float32)
        h = jax.nn.gelu(g, approximate=True) * v
        part = jnp.dot(h.astype(jnp.bfloat16), wo_ref[0].astype(jnp.bfloat16),
                       preferred_element_type=jnp.float32)
        prev = jnp.where(f == 0, 0.0, y_ref[...].astype(jnp.float32))
        y_ref[...] = (prev + part).astype(jnp.bfloat16)


def _grouped_mlp(tile_e, tile_valid, x_slots, wg, wv, wo):
    grid_spec = pltpu.PrefetchScalarGridSpec(
        num_scalar_prefetch=2,
        grid=(NT, NF),
        in_specs=[
            pl.BlockSpec((T, HIDDEN), lambda t, f, te, tv: (t, 0)),
            pl.BlockSpec((1, HIDDEN, FT), lambda t, f, te, tv: (te[t], 0, f)),
            pl.BlockSpec((1, HIDDEN, FT), lambda t, f, te, tv: (te[t], 0, f)),
            pl.BlockSpec((1, FT, HIDDEN), lambda t, f, te, tv: (te[t], f, 0)),
        ],
        out_specs=pl.BlockSpec((T, HIDDEN), lambda t, f, te, tv: (t, 0)),
    )
    return pl.pallas_call(
        _moe_body,
        grid_spec=grid_spec,
        out_shape=jax.ShapeDtypeStruct((NT * T, HIDDEN), jnp.bfloat16),
    )(tile_e, tile_valid, x_slots, wg, wv, wo)


@jax.jit
def kernel(hidden_states, gate_w, wg, wv, wo):
    x = hidden_states[0]

    gate_w_pad = jnp.zeros((HIDDEN, LANES), jnp.float32).at[:, :E].set(gate_w)
    logits128, w01, i01 = _router(x, gate_w_pad)
    router_logits = logits128[:, :E]
    sel = i01[:, :TOPK]
    rw = w01[:, :TOPK]

    e_flat = jnp.reshape(sel, (R,))
    onehot = (e_flat[:, None] == jnp.arange(E, dtype=jnp.int32)[None, :]).astype(jnp.int32)
    csum = jnp.cumsum(onehot, axis=0)
    rank = jnp.take_along_axis(csum, e_flat[:, None], axis=1)[:, 0] - 1
    counts = csum[-1]
    tiles_per = (counts + T - 1) // T
    cum_tiles = jnp.cumsum(tiles_per)
    tile_start = cum_tiles - tiles_per
    used = cum_tiles[-1]

    dest = (tile_start[e_flat] * T + rank).astype(jnp.int32)

    tile_ids = jnp.arange(NT, dtype=jnp.int32)
    tile_e_raw = jnp.sum((cum_tiles[None, :] <= tile_ids[:, None]).astype(jnp.int32), axis=1)
    last_e = jnp.sum((cum_tiles <= used - 1).astype(jnp.int32))
    tile_valid = (tile_ids < used).astype(jnp.int32)
    tile_e = jnp.where(tile_valid == 1, jnp.minimum(tile_e_raw, E - 1), last_e)

    x2 = jnp.repeat(x.astype(jnp.bfloat16), TOPK, axis=0)
    x_slots = jnp.zeros((NT * T, HIDDEN), jnp.bfloat16).at[dest].set(x2)
    y_slots = _grouped_mlp(tile_e, tile_valid, x_slots, wg, wv, wo)

    s01 = jnp.reshape(dest, (S, TOPK))
    y01 = jnp.take(y_slots, s01, axis=0).astype(jnp.float32)
    final = jnp.sum(y01 * rw[:, :, None], axis=1)

    return (final[None], router_logits[None])

# --- scband reference (transcript-rebuilt; emitter-appended) ---
"""Pipeline reference for scband-grok1-sparse-moe-block-23742579212766 (READ-ONLY COPY).

The authoritative reference and input builder live on the scoring server;
editing this copy changes nothing except your own understanding.
"""

import jax, jax.numpy as jnp
import numpy as np

B = 1
S = 2048
HIDDEN = 1024
INTER = 4096
E = 8
TOPK = 2


def setup_inputs(seed: int = 0) -> dict:
    key = jax.random.key(seed)
    k0, k1, k2, k3, k4 = jax.random.split(key, 5)
    hidden_states = jax.random.normal(k0, (B, S, HIDDEN), dtype=jnp.float32)
    # gate kernel: normal() init (stddev=1e-2 default in flax initializers.normal)
    gate_w = jax.random.normal(k1, (HIDDEN, E), dtype=jnp.float32) * 0.01
    # expert weights, stacked over experts; initializer_range=0.02
    wg = jax.random.normal(k2, (E, HIDDEN, INTER), dtype=jnp.float32) * 0.02  # 'linear'
    wv = jax.random.normal(k3, (E, HIDDEN, INTER), dtype=jnp.float32) * 0.02  # 'linear_v'
    wo = jax.random.normal(k4, (E, INTER, HIDDEN), dtype=jnp.float32) * 0.02  # 'linear_1'
    return {"hidden_states": hidden_states, "gate_w": gate_w, "wg": wg, "wv": wv, "wo": wo}


def reference(hidden_states, gate_w, wg, wv, wo):
    # router
    router_logits = jnp.einsum("bsh,he->bse", hidden_states, gate_w).astype(jnp.float32)
    routing_weights, selected_experts = jax.lax.top_k(router_logits, k=TOPK)
    routing_weights = jax.nn.softmax(routing_weights.astype(jnp.float32), axis=-1)
    final_hidden_state = jnp.zeros_like(hidden_states)
    for index in range(E):
        # Grok1BLockSparseMLP: linear_1(gelu(linear(x)) * linear_v(x)), all bias-free
        g = jax.nn.gelu(jnp.einsum("bsh,hf->bsf", hidden_states, wg[index]), approximate=True)
        v = jnp.einsum("bsh,hf->bsf", hidden_states, wv[index])
        expert_layer_output = jnp.einsum("bsf,fh->bsh", g * v, wo[index])
        w = jnp.sum((selected_experts == index).astype(routing_weights.dtype) * routing_weights, axis=-1)[:, :, None]
        final_hidden_state = final_hidden_state + w * expert_layer_output
    return (final_hidden_state, router_logits)

if __name__ == "__main__":
    import jax
    _d = setup_inputs()
    print(jax.jit(kernel)(*tuple(_d.values())))

</pallas_src>

<mosaic_0001>
module attributes {stable_mosaic.version = 14 : i64} {
  func.func @_router_body(%arg0: memref<2048x1024xf32, #tpu.memory_space<vmem>>, %arg1: memref<1024x128xf32, #tpu.memory_space<vmem>>, %arg2: memref<2048x128xf32, #tpu.memory_space<vmem>>, %arg3: memref<2048x128xf32, #tpu.memory_space<vmem>>, %arg4: memref<2048x128xi32, #tpu.memory_space<vmem>>) attributes {dimension_semantics = [], scalar_prefetch = 0 : i64, scratch_operands = 0 : i64, tpu.core_type = #tpu.core_type<tc>} {
    %get3A = arith.constant 0 : index
    %get3A_0 = arith.constant 0 : index
    %get3A_1 = vector.load %arg0[%get3A, %get3A_0] : memref<2048x1024xf32, #tpu.memory_space<vmem>>, vector<2048x1024xf32>
    %get3A_2 = arith.constant 0 : index
    %get3A_3 = arith.constant 0 : index
    %get3A_4 = vector.load %arg1[%get3A_2, %get3A_3] : memref<1024x128xf32, #tpu.memory_space<vmem>>, vector<1024x128xf32>
    %dot_general3A = arith.constant dense<0.000000e+00> : vector<2048x128xf32>
    %dot_general3A_5 = tpu.matmul %get3A_1, %get3A_4, %dot_general3A {dimension_numbers = #tpu.dot_dimension_numbers<[1], [0], [0], [1], [0, 0, 1, 1], [], []>, transpose_lhs_hint = false} : vector<2048x1024xf32>, vector<1024x128xf32>, vector<2048x128xf32> -> vector<2048x128xf32>
    %swap3A = arith.constant 0 : index
    %swap3A_6 = arith.constant 0 : index
    %swap3A_7 = vector.load %arg2[%swap3A, %swap3A_6] : memref<2048x128xf32, #tpu.memory_space<vmem>>, vector<2048x128xf32>
    tpu.vector_store %arg2[%swap3A, %swap3A_6], %dot_general3A_5 {strides = array<i32>} : memref<2048x128xf32, #tpu.memory_space<vmem>>, vector<2048x128xf32>,
    %iota3A = tpu.iota {dimensions = array<i32: 1>} : vector<2048x128xi32>
    %lt3A = arith.constant 8 : i32
    %lt3A_8 = vector.broadcast %lt3A : i32 to vector<2048x128xi32>
    %lt3A_9 = arith.cmpi slt, %iota3A, %lt3A_8 : vector<2048x128xi32>
    %jit3A = arith.constant -1.000000e+30 : f32
    %broadcast_in_dim3A = vector.broadcast %jit3A : f32 to vector<2048x128xf32>
    %select_n3A = arith.select %lt3A_9, %dot_general3A_5, %broadcast_in_dim3A : vector<2048x128xi1>, vector<2048x128xf32>
    %reduce_max3A = arith.constant dense<0xFF800000> : vector<2048xf32>
    %reduce_max3A_10 = vector.multi_reduction <maximumf>, %select_n3A, %reduce_max3A [1] : vector<2048x128xf32> to vector<2048xf32>
    %broadcast_in_dim3A_11 = vector.shape_cast %reduce_max3A_10 : vector<2048xf32> to vector<2048x1xf32>
    %eq3A = vector.broadcast %broadcast_in_dim3A_11 : vector<2048x1xf32> to vector<2048x128xf32>
    %eq3A_12 = arith.cmpf oeq, %select_n3A, %eq3A : vector<2048x128xf32>
    %jit3A_13 = arith.constant 8 : i32
    %broadcast_in_dim3A_14 = vector.broadcast %jit3A_13 : i32 to vector<2048x128xi32>
    %select_n3A_15 = arith.select %eq3A_12, %iota3A, %broadcast_in_dim3A_14 : vector<2048x128xi1>, vector<2048x128xi32>
    %reduce_min3A = arith.constant dense<2147483647> : vector<2048xi32>
    %reduce_min3A_16 = vector.multi_reduction <minsi>, %select_n3A_15, %reduce_min3A [1] : vector<2048x128xi32> to vector<2048xi32>
    %broadcast_in_dim3A_17 = vector.shape_cast %reduce_min3A_16 : vector<2048xi32> to vector<2048x1xi32>
    %eq3A_18 = vector.broadcast %broadcast_in_dim3A_17 : vector<2048x1xi32> to vector<2048x128xi32>
    %eq3A_19 = arith.cmpi eq, %iota3A, %eq3A_18 : vector<2048x128xi32>
    %jit3A_20 = arith.constant -1.000000e+30 : f32
    %broadcast_in_dim3A_21 = vector.broadcast %jit3A_20 : f32 to vector<2048x128xf32>
    %select_n3A_22 = arith.select %eq3A_19, %broadcast_in_dim3A_21, %select_n3A : vector<2048x128xi1>, vector<2048x128xf32>
    %reduce_max3A_23 = arith.constant dense<0xFF800000> : vector<2048xf32>
    %reduce_max3A_24 = vector.multi_reduction <maximumf>, %select_n3A_22, %reduce_max3A_23 [1] : vector<2048x128xf32> to vector<2048xf32>
    %broadcast_in_dim3A_25 = vector.shape_cast %reduce_max3A_24 : vector<2048xf32> to vector<2048x1xf32>
    %eq3A_26 = vector.broadcast %broadcast_in_dim3A_25 : vector<2048x1xf32> to vector<2048x128xf32>
    %eq3A_27 = arith.cmpf oeq, %select_n3A_22, %eq3A_26 : vector<2048x128xf32>
    %jit3A_28 = arith.constant 8 : i32
    %broadcast_in_dim3A_29 = vector.broadcast %jit3A_28 : i32 to vector<2048x128xi32>
    %select_n3A_30 = arith.select %eq3A_27, %iota3A, %broadcast_in_dim3A_29 : vector<2048x128xi1>, vector<2048x128xi32>
    %reduce_min3A_31 = arith.constant dense<2147483647> : vector<2048xi32>
    %reduce_min3A_32 = vector.multi_reduction <minsi>, %select_n3A_30, %reduce_min3A_31 [1] : vector<2048x128xi32> to vector<2048xi32>
    %broadcast_in_dim3A_33 = vector.shape_cast %reduce_min3A_32 : vector<2048xi32> to vector<2048x1xi32>
    %sub3A = arith.subf %broadcast_in_dim3A_25, %broadcast_in_dim3A_11 : vector<2048x1xf32>
    %exp3A = math.exp %sub3A : vector<2048x1xf32>
    %add3A = arith.constant 1.000000e+00 : f32
    %add3A_34 = vector.broadcast %add3A : f32 to vector<2048x1xf32>
    %add3A_35 = arith.addf %add3A_34, %exp3A : vector<2048x1xf32>
    %div3A = arith.constant 1.000000e+00 : f32
    %div3A_36 = vector.broadcast %div3A : f32 to vector<2048x1xf32>
    %div3A_37 = arith.divf %div3A_36, %add3A_35 : vector<2048x1xf32>
    %add3A_38 = arith.constant 1.000000e+00 : f32
    %add3A_39 = vector.broadcast %add3A_38 : f32 to vector<2048x1xf32>
    %add3A_40 = arith.addf %add3A_39, %exp3A : vector<2048x1xf32>
    %div3A_41 = arith.divf %exp3A, %add3A_40 : vector<2048x1xf32>
    %eq3A_42 = arith.constant 0 : i32
    %eq3A_43 = vector.broadcast %eq3A_42 : i32 to vector<2048x128xi32>
    %eq3A_44 = arith.cmpi eq, %iota3A, %eq3A_43 : vector<2048x128xi32>
    %eq3A_45 = arith.constant 1 : i32
    %eq3A_46 = vector.broadcast %eq3A_45 : i32 to vector<2048x128xi32>
    %eq3A_47 = arith.cmpi eq, %iota3A, %eq3A_46 : vector<2048x128xi32>
    %jit3A_48 = arith.constant 0.000000e+00 : f32
    %broadcast_in_dim3A_49 = vector.shape_cast %div3A_41 : vector<2048x1xf32> to vector<2048x1xf32>
    %broadcast_in_dim3A_50 = vector.broadcast %broadcast_in_dim3A_49 : vector<2048x1xf32> to vector<2048x128xf32>
    %broadcast_in_dim3A_51 = vector.broadcast %jit3A_48 : f32 to vector<2048x128xf32>
    %select_n3A_52 = arith.select %eq3A_47, %broadcast_in_dim3A_50, %broadcast_in_dim3A_51 : vector<2048x128xi1>, vector<2048x128xf32>
    %broadcast_in_dim3A_53 = vector.shape_cast %div3A_37 : vector<2048x1xf32> to vector<2048x1xf32>
    %broadcast_in_dim3A_54 = vector.broadcast %broadcast_in_dim3A_53 : vector<2048x1xf32> to vector<2048x128xf32>
    %select_n3A_55 = arith.select %eq3A_44, %broadcast_in_dim3A_54, %select_n3A_52 : vector<2048x128xi1>, vector<2048x128xf32>
    %swap3A_56 = arith.constant 0 : index
    %swap3A_57 = arith.constant 0 : index
    %swap3A_58 = vector.load %arg3[%swap3A_56, %swap3A_57] : memref<2048x128xf32, #tpu.memory_space<vmem>>, vector<2048x128xf32>
    tpu.vector_store %arg3[%swap3A_56, %swap3A_57], %select_n3A_55 {strides = array<i32>} : memref<2048x128xf32, #tpu.memory_space<vmem>>, vector<2048x128xf32>,
    %eq3A_59 = arith.constant 0 : i32
    %eq3A_60 = vector.broadcast %eq3A_59 : i32 to vector<2048x128xi32>
    %eq3A_61 = arith.cmpi eq, %iota3A, %eq3A_60 : vector<2048x128xi32>
    %eq3A_62 = arith.constant 1 : i32
    %eq3A_63 = vector.broadcast %eq3A_62 : i32 to vector<2048x128xi32>
    %eq3A_64 = arith.cmpi eq, %iota3A, %eq3A_63 : vector<2048x128xi32>
    %jit3A_65 = arith.constant 0 : i32
    %broadcast_in_dim3A_66 = vector.shape_cast %broadcast_in_dim3A_33 : vector<2048x1xi32> to vector<2048x1xi32>
    %broadcast_in_dim3A_67 = vector.broadcast %broadcast_in_dim3A_66 : vector<2048x1xi32> to vector<2048x128xi32>
    %broadcast_in_dim3A_68 = vector.broadcast %jit3A_65 : i32 to vector<2048x128xi32>
    %select_n3A_69 = arith.select %eq3A_64, %broadcast_in_dim3A_67, %broadcast_in_dim3A_68 : vector<2048x128xi1>, vector<2048x128xi32>
    %broadcast_in_dim3A_70 = vector.shape_cast %broadcast_in_dim3A_17 : vector<2048x1xi32> to vector<2048x1xi32>
    %broadcast_in_dim3A_71 = vector.broadcast %broadcast_in_dim3A_70 : vector<2048x1xi32> to vector<2048x128xi32>
    %select_n3A_72 = arith.select %eq3A_61, %broadcast_in_dim3A_71, %select_n3A_69 : vector<2048x128xi1>, vector<2048x128xi32>
    %swap3A_73 = arith.constant 0 : index
    %swap3A_74 = arith.constant 0 : index
    %swap3A_75 = vector.load %arg4[%swap3A_73, %swap3A_74] : memref<2048x128xi32, #tpu.memory_space<vmem>>, vector<2048x128xi32>
    tpu.vector_store %arg4[%swap3A_73, %swap3A_74], %select_n3A_72 {strides = array<i32>} : memref<2048x128xi32, #tpu.memory_space<vmem>>, vector<2048x128xi32>,
    return
  }
}

module attributes {stable_mosaic.version = 14 : i64} {
  func.func @_moe_body(%arg0: i32, %arg1: i32, %arg2: memref<15xi32, #tpu.memory_space<smem>>, %arg3: memref<15xi32, #tpu.memory_space<smem>>, %arg4: memref<512x1024xbf16, #tpu.memory_space<vmem>>, %arg5: memref<1x1024x1024xf32, #tpu.memory_space<vmem>>, %arg6: memref<1x1024x1024xf32, #tpu.memory_space<vmem>>, %arg7: memref<1x1024x1024xf32, #tpu.memory_space<vmem>>, %arg8: memref<512x1024xbf16, #tpu.memory_space<vmem>>) attributes {dimension_semantics = [#tpu.dimension_semantics<arbitrary>, #tpu.dimension_semantics<arbitrary>], iteration_bounds = array<i64: 15, 4>, scalar_prefetch = 2 : i64, scratch_operands = 0 : i64, tpu.core_type = #tpu.core_type<tc>, window_params = [{transform_indices = @transform_0, window_bounds = array<i64: 512, 1024>}, {transform_indices = @transform_1, window_bounds = array<i64: 1, 1024, 1024>}, {transform_indices = @transform_2, window_bounds = array<i64: 1, 1024, 1024>}, {transform_indices = @transform_3, window_bounds = array<i64: 1, 1024, 1024>}, {transform_indices = @transform_4, window_bounds = array<i64: 512, 1024>}]} {
    %get3A = arith.index_cast %arg0 : i32 to index
    %get3A_0 = memref.load %arg3[%get3A] : memref<15xi32, #tpu.memory_space<smem>>
    %ne3A = arith.constant 0 : i32
    %ne3A_1 = arith.cmpi ne, %get3A_0, %ne3A : i32
    %convert_element_type3A = arith.extui %ne3A_1 : i1 to i32
    %cond3A = arith.constant 0 : i32
    %cond3A_2 = arith.cmpi ne, %convert_element_type3A, %cond3A : i32
    scf.if %cond3A_2 {
      %get3A_3 = arith.constant 0 : index
      %get3A_4 = arith.constant 0 : index
      %get3A_5 = vector.load %arg4[%get3A_3, %get3A_4] : memref<512x1024xbf16, #tpu.memory_space<vmem>>, vector<512x1024xbf16>
      %get3A_6 = arith.constant 0 : index
      %get3A_7 = arith.constant 0 : index
      %get3A_8 = arith.constant 0 : index
      %get3A_9 = vector.load %arg5[%get3A_6, %get3A_7, %get3A_8] : memref<1x1024x1024xf32, #tpu.memory_space<vmem>>, vector<1x1024x1024xf32>
      %get3A_10 = vector.shape_cast %get3A_9 : vector<1x1024x1024xf32> to vector<1024x1024xf32>
      %convert_element_type3A_11 = arith.truncf %get3A_10 : vector<1024x1024xf32> to vector<1024x1024xbf16>
      %dot_general3A = arith.constant dense<0.000000e+00> : vector<512x1024xf32>
      %dot_general3A_12 = tpu.matmul %get3A_5, %convert_element_type3A_11, %dot_general3A {dimension_numbers = #tpu.dot_dimension_numbers<[1], [0], [0], [1], [0, 0, 1, 1], [], []>, transpose_lhs_hint = false} : vector<512x1024xbf16>, vector<1024x1024xbf16>, vector<512x1024xf32> -> vector<512x1024xf32>
      %get3A_13 = arith.constant 0 : index
      %get3A_14 = arith.constant 0 : index
      %get3A_15 = arith.constant 0 : index
      %get3A_16 = vector.load %arg6[%get3A_13, %get3A_14, %get3A_15] : memref<1x1024x1024xf32, #tpu.memory_space<vmem>>, vector<1x1024x1024xf32>
      %get3A_17 = vector.shape_cast %get3A_16 : vector<1x1024x1024xf32> to vector<1024x1024xf32>
      %convert_element_type3A_18 = arith.truncf %get3A_17 : vector<1024x1024xf32> to vector<1024x1024xbf16>
      %dot_general3A_19 = arith.constant dense<0.000000e+00> : vector<512x1024xf32>
      %dot_general3A_20 = tpu.matmul %get3A_5, %convert_element_type3A_18, %dot_general3A_19 {dimension_numbers = #tpu.dot_dimension_numbers<[1], [0], [0], [1], [0, 0, 1, 1], [], []>, transpose_lhs_hint = false} : vector<512x1024xbf16>, vector<1024x1024xbf16>, vector<512x1024xf32> -> vector<512x1024xf32>
      %integer_pow3A = arith.mulf %dot_general3A_12, %dot_general3A_12 : vector<512x1024xf32>
      %integer_pow3A_21 = arith.mulf %dot_general3A_12, %integer_pow3A : vector<512x1024xf32>
      %mul3A = arith.constant 4.471500e-02 : f32
      %mul3A_22 = vector.broadcast %mul3A : f32 to vector<512x1024xf32>
      %mul3A_23 = arith.mulf %mul3A_22, %integer_pow3A_21 : vector<512x1024xf32>
      %add3A = arith.addf %dot_general3A_12, %mul3A_23 : vector<512x1024xf32>
      %mul3A_24 = arith.constant 0.797884583 : f32
      %mul3A_25 = vector.broadcast %mul3A_24 : f32 to vector<512x1024xf32>
      %mul3A_26 = arith.mulf %mul3A_25, %add3A : vector<512x1024xf32>
      %tanh3A = math.tanh %mul3A_26 : vector<512x1024xf32>
      %add3A_27 = arith.constant 1.000000e+00 : f32
      %add3A_28 = vector.broadcast %add3A_27 : f32 to vector<512x1024xf32>
      %add3A_29 = arith.addf %add3A_28, %tanh3A : vector<512x1024xf32>
      %mul3A_30 = arith.constant 5.000000e-01 : f32
      %mul3A_31 = vector.broadcast %mul3A_30 : f32 to vector<512x1024xf32>
      %mul3A_32 = arith.mulf %mul3A_31, %add3A_29 : vector<512x1024xf32>
      %mul3A_33 = arith.mulf %dot_general3A_12, %mul3A_32 : vector<512x1024xf32>
      %mul3A_34 = arith.mulf %mul3A_33, %dot_general3A_20 : vector<512x1024xf32>
      %convert_element_type3A_35 = arith.truncf %mul3A_34 : vector<512x1024xf32> to vector<512x1024xbf16>
      %get3A_36 = arith.constant 0 : index
      %get3A_37 = arith.constant 0 : index
      %get3A_38 = arith.constant 0 : index
      %get3A_39 = vector.load %arg7[%get3A_36, %get3A_37, %get3A_38] : memref<1x1024x1024xf32, #tpu.memory_space<vmem>>, vector<1x1024x1024xf32>
      %get3A_40 = vector.shape_cast %get3A_39 : vector<1x1024x1024xf32> to vector<1024x1024xf32>
      %convert_element_type3A_41 = arith.truncf %get3A_40 : vector<1024x1024xf32> to vector<1024x1024xbf16>
      %dot_general3A_42 = arith.constant dense<0.000000e+00> : vector<512x1024xf32>
      %dot_general3A_43 = tpu.matmul %convert_element_type3A_35, %convert_element_type3A_41, %dot_general3A_42 {dimension_numbers = #tpu.dot_dimension_numbers<[1], [0], [0], [1], [0, 0, 1, 1], [], []>, transpose_lhs_hint = false} : vector<512x1024xbf16>, vector<1024x1024xbf16>, vector<512x1024xf32> -> vector<512x1024xf32>
      %eq3A = arith.constant 0 : i32
      %eq3A_44 = arith.cmpi eq, %arg1, %eq3A : i32
      %get3A_45 = arith.constant 0 : index
      %get3A_46 = arith.constant 0 : index
      %get3A_47 = vector.load %arg8[%get3A_45, %get3A_46] : memref<512x1024xbf16, #tpu.memory_space<vmem>>, vector<512x1024xbf16>
      %convert_element_type3A_48 = arith.extf %get3A_47 : vector<512x1024xbf16> to vector<512x1024xf32>
      %jit3A = arith.constant 0.000000e+00 : f32
      %broadcast_in_dim3A = vector.broadcast %jit3A : f32 to vector<512x1024xf32>
      %select_n3A = arith.select %eq3A_44, %broadcast_in_dim3A, %convert_element_type3A_48 : vector<512x1024xf32>
      %add3A_49 = arith.addf %select_n3A, %dot_general3A_43 : vector<512x1024xf32>
      %convert_element_type3A_50 = arith.truncf %add3A_49 : vector<512x1024xf32> to vector<512x1024xbf16>
      %swap3A = arith.constant 0 : index
      %swap3A_51 = arith.constant 0 : index
      %swap3A_52 = vector.load %arg8[%swap3A, %swap3A_51] : memref<512x1024xbf16, #tpu.memory_space<vmem>>, vector<512x1024xbf16>
      tpu.vector_store %arg8[%swap3A, %swap3A_51], %convert_element_type3A_50 {strides = array<i32>} : memref<512x1024xbf16, #tpu.memory_space<vmem>>, vector<512x1024xbf16>,
    } else {
    }
    return
  }
  func.func @transform_0(%arg0: i32, %arg1: i32, %arg2: memref<15xi32, #tpu.memory_space<smem>>, %arg3: memref<15xi32, #tpu.memory_space<smem>>) -> (i32, i32) {
    %c0_i32 = arith.constant 0 : i32
    %c0_i32_0 = arith.constant 0 : i32
    return %arg0, %c0_i32 : i32, i32
  }
  func.func @transform_1(%arg0: i32, %arg1: i32, %arg2: memref<15xi32, #tpu.memory_space<smem>>, %arg3: memref<15xi32, #tpu.memory_space<smem>>) -> (i32, i32, i32) {
    %get3A = arith.index_cast %arg0 : i32 to index
    %get3A_0 = memref.load %arg2[%get3A] : memref<15xi32, #tpu.memory_space<smem>>
    %c0_i32 = arith.constant 0 : i32
    %c0_i32_1 = arith.constant 0 : i32
    return %get3A_0, %c0_i32, %arg1 : i32, i32, i32
  }
  func.func @transform_2(%arg0: i32, %arg1: i32, %arg2: memref<15xi32, #tpu.memory_space<smem>>, %arg3: memref<15xi32, #tpu.memory_space<smem>>) -> (i32, i32, i32) {
    %get3A = arith.index_cast %arg0 : i32 to index
    %get3A_0 = memref.load %arg2[%get3A] : memref<15xi32, #tpu.memory_space<smem>>
    %c0_i32 = arith.constant 0 : i32
    %c0_i32_1 = arith.constant 0 : i32
    return %get3A_0, %c0_i32, %arg1 : i32, i32, i32
  }
  func.func @transform_3(%arg0: i32, %arg1: i32, %arg2: memref<15xi32, #tpu.memory_space<smem>>, %arg3: memref<15xi32, #tpu.memory_space<smem>>) -> (i32, i32, i32) {
    %get3A = arith.index_cast %arg0 : i32 to index
    %get3A_0 = memref.load %arg2[%get3A] : memref<15xi32, #tpu.memory_space<smem>>
    %c0_i32 = arith.constant 0 : i32
    %c0_i32_1 = arith.constant 0 : i32
    return %get3A_0, %arg1, %c0_i32 : i32, i32, i32
  }
  func.func @transform_4(%arg0: i32, %arg1: i32, %arg2: memref<15xi32, #tpu.memory_space<smem>>, %arg3: memref<15xi32, #tpu.memory_space<smem>>) -> (i32, i32) {
    %c0_i32 = arith.constant 0 : i32
    %c0_i32_0 = arith.constant 0 : i32
    return %arg0, %c0_i32 : i32, i32
  }
}

</mosaic_0001>

<sc_bundles>
// kernel: gather_offload_async_start
scs
__scs_entry_jumppad:
0x0: {  	(pc) =	sbr.rel $0x88, $3  }
0x1: {  	(tag) =	ssettag $0x0;
	lr =	simm.s32 $0x1  }
0x2: {  	[smem:$0x3F9C] =	sst lr;
	_ =	strace $0xD0000000  }
0x3: {  	_ = 	snop  }
0x4: {  	_ = 	snop  }
0x5: {  	_ = 	snop  }
0x6: {  	_ = 	snop  }
0x7: {  	_ = 	snop  }
__scs_overlays_trampoline_lowered:
0x8: {  	[smem:$0x3FAB] =	sst s0  }
0x9: {  	[smem:$0x3FAC] =	sst s1  }
0xa: {  	[smem:$0x3FAD] =	sst s2  }
0xb: {  	[smem:$0x3FAE] =	sst s3  }
0xc: {  	[smem:$0x3FAF] =	sst s4  }
0xd: {  	[smem:$0x3FB0] =	sst s5  }
0xe: {  	[smem:$0x3FB1] =	sst s6  }
0xf: {  	[smem:$0x3FB2] =	sst s7  }
0x10: {  	[smem:$0x3FB3] =	sst s8  }
0x11: {  	[smem:$0x3FB4] =	sst s9;
	s0 =	simm.s32 @!p0 $0x0  }
0x12: {  	s1 =	sld [smem:$0x3F9A];
	s0 =	simm.s32 @p0 $0x1  }
0x13: {  	[smem:$0x3FB5] =	sst s0;
	s0 =	simm.s32 @!p1 $0x0  }
0x14: {  	s2 =	sld [smem:$0x3F99];
	s0 =	simm.s32 @p1 $0x1  }
0x15: {  	[smem:$0x3FB6] =	sst s0;
	s0 =	simm.s32 @!p2 $0x0  }
0x16: {  	s3 =	sld [smem:$0x3FDB];
	s0 =	simm.s32 @p2 $0x1  }
0x17: {  	s4 =	simm.s32 $0x1BF5;
	[smem:$0x3FB8] =	sst s0  }
0x18: {  	s0 =	sld [smem:$0x3F9B];
	_ =	swait.ge [sflag:s4], $0x0  }
0x19: {  	s7 =	sld [smem:$0x3F9C]  }
0x1a: {  	s8 =	sadd.s32 $0xFFFFE003, lr  }
0x1b: {  	s9 =	sadd.s32 $0xFFFFFEF7, lr;
	s5 =	simm.s32 $0xFFFFFFFF;
	p2 =	slt.u32 s8, $0xFFFFF086  }
0x1c: {  	p1 =	slt.u32 s9, $0xF7A;
	s5 =	simm.s32 @!p2 $0x0  }
0x1d: {  	s5 =	simm.s32 @p1 $0x1;
	p0 =	seq.s32 s7, s2  }
0x1e: {  	s7 =	smul.u32 @!p0 $0xF7A, s2;
	p2 =	seq.s32 @!p0 s5, $0x0  }
0x1f: {  	s9 =	smul.u32 $0xF7A, s1;
	s8 =	simm.s32 @!p0 $0x1BF5;
	p2 =	por !p2, p0  }
0x20: {  	[sflag:s8] =	ssyncset.s32 @!p0 $0xFFFFF086;
	s6 =	sadd.s32 @!p0 s3, s7;
	s7 =	simm.s32 @!p0 $0x108  }
0x21: {  	s3 =	sadd.s32 s3, s9;
	s6 =	sadd.s32 @!p0 $0x88, s6;
	s7 =	simm.s32 @p2 $0x1082  }
0x22: {  	[simem:s7], [sflag:s8] =	dma.local @!p0 [hbm:s6], $0xF7A  }
0x23: {  	s9 =	sor.u32 $0xD0000000, s2;
	s6 =	simm.s32 $0x108;
	_ =	swait.ge @!p0 [sflag:s8], $0x0  }
0x24: {  	s3 =	sadd.s32 $0x88, s3;
	s6 =	simm.s32 @!p1 $0x1082;
	[sflag:s4] =	ssyncset.s32 $0xFFFFF086  }
0x25: {  	[simem:s6], [sflag:s4] =	dma.local [hbm:s3], $0xF7A  }
0x26: {  	[smem:$0x3F9C] =	sst s1;
	(tag) =	ssettag s2;
	_ =	strace s9  }
0x27: {  	s1 =	sld [smem:$0x3FAC]  }
0x28: {  	s2 =	sld [smem:$0x3FAD]  }
0x29: {  	s4 =	sld [smem:$0x3FAF]  }
0x2a: {  	p0 =	seq.s32 s5, $0x0;
	s5 =	sld [smem:$0x3FB0]  }
0x2b: {  	s6 =	sld [smem:$0x3FB1]  }
0x2c: {  	s7 =	sld [smem:$0x3FB2]  }
0x2d: {  	s3 =	simm.s32 $0x108;
	s8 =	sld [smem:$0x3FB3]  }
0x2e: {  	s3 =	simm.s32 @!p0 $0x1082;
	s9 =	sld [smem:$0x3FB4]  }
0x2f: {  	lr =	sadd.s32 s0, s3;
	s0 =	sld [smem:$0x3FAB]  }
0x30: {  	s3 =	sld [smem:$0x3FAE]  }
0x31: {  	[smem:$0x3FB7] =	sst s10  }
0x32: {  	s10 =	sld [smem:$0x3FB5];
	_ =	sdelay $0x3  }
0x33: {  	p0 =	seq.s32 s10, $0x1;
	s10 =	sld [smem:$0x3FB7];
	_ =	sdelay $0x3  }
0x34: {  	[smem:$0x3FB7] =	sst s10  }
0x35: {  	s10 =	sld [smem:$0x3FB6];
	_ =	sdelay $0x3  }
0x36: {  	p1 =	seq.s32 s10, $0x1;
	s10 =	sld [smem:$0x3FB7];
	_ =	sdelay $0x3  }
0x37: {  	[smem:$0x3FB7] =	sst s10  }
0x38: {  	s10 =	sld [smem:$0x3FB8]  }
0x39: {  	_ = 	snop;
	(pc) =	sbr.ind lr, $3  }
0x3a: {  	_ = 	snop  }
0x3b: {  	_ = 	snop  }
0x3c: {  	p2 =	seq.s32 s10, $0x1;
	s10 =	sld [smem:$0x3FB7]  }
0x3d: {  	_ =	shalt  }
0x3e: {  	_ =	shalt  }
0x3f: {  	_ =	shalt  }
0x40: {  	_ =	shalt  }
0x41: {  	_ =	shalt  }
0x42: {  	_ =	shalt  }
0x43: {  	_ =	shalt  }
0x44: {  	_ =	shalt  }
0x45: {  	_ =	shalt  }
0x46: {  	_ =	shalt  }
0x47: {  	_ =	shalt  }
0x48: {  	_ =	shalt  }
0x49: {  	_ =	shalt  }
0x4a: {  	_ =	shalt  }
0x4b: {  	_ =	shalt  }
0x4c: {  	_ =	shalt  }
0x4d: {  	_ =	shalt  }
0x4e: {  	_ =	shalt  }
0x4f: {  	_ =	shalt  }
0x50: {  	_ =	shalt  }
0x51: {  	_ =	shalt  }
0x52: {  	_ =	shalt  }
0x53: {  	_ =	shalt  }
0x54: {  	_ =	shalt  }
0x55: {  	_ =	shalt  }
0x56: {  	_ =	shalt  }
0x57: {  	_ =	shalt  }
0x58: {  	_ =	shalt  }
0x59: {  	_ =	shalt  }
0x5a: {  	_ =	shalt  }
0x5b: {  	_ =	shalt  }
0x5c: {  	_ =	shalt  }
0x5d: {  	_ =	shalt  }
0x5e: {  	_ =	shalt  }
0x5f: {  	_ =	shalt  }
0x60: {  	_ =	shalt  }
0x61: {  	_ =	shalt  }
0x62: {  	_ =	shalt  }
0x63: {  	_ =	shalt  }
0x64: {  	_ =	shalt  }
0x65: {  	_ =	shalt  }
0x66: {  	_ =	shalt  }
0x67: {  	_ =	shalt  }
0x68: {  	_ =	shalt  }
0x69: {  	_ =	shalt  }
0x6a: {  	_ =	shalt  }
0x6b: {  	_ =	shalt  }
0x6c: {  	_ =	shalt  }
0x6d: {  	_ =	shalt  }
0x6e: {  	_ =	shalt  }
0x6f: {  	_ =	shalt  }
0x70: {  	_ =	shalt  }
0x71: {  	_ =	shalt  }
0x72: {  	_ =	shalt  }
0x73: {  	_ =	shalt  }
0x74: {  	_ =	shalt  }
0x75: {  	_ =	shalt  }
0x76: {  	_ =	shalt  }
0x77: {  	_ =	shalt  }
0x78: {  	_ =	shalt  }
0x79: {  	_ =	shalt  }
0x7a: {  	_ =	shalt  }
0x7b: {  	_ =	shalt  }
0x7c: {  	_ =	shalt  }
0x7d: {  	_ =	shalt  }
0x7e: {  	_ =	shalt  }
0x7f: {  	_ =	shalt  }
0x80: {  	_ =	shalt  }
0x81: {  	_ =	shalt  }
0x82: {  	_ =	shalt  }
0x83: {  	_ =	shalt  }
0x84: {  	_ =	shalt  }
0x85: {  	_ =	shalt  }
0x86: {  	_ =	shalt  }
0x87: {  	_ =	shalt  }
.Lfunc_end0:
.L_simem_size_0:
called_computation_lowered:
.L_overlay_start_0:
0x88: {  	s2 =	sld [smem:$0x3FD9]  }
0x89: {  	s3 =	sld [smem:$0x3FFE];
	_ =	sdelay $0x1  }
0x8a: {  	s1 =	srdreg.scid  }
0x8b: {  	s0 =	sand.u32 $0x1, s1  }
0x8c: {  	s14 =	sshll.u32 s0, $0xA;
	s2 =	sadd.s32 s3, s2  }
0x8d: {  	s2 =	sadd.s32 s2, s14  }
0x8e: {  	[smem:$0x3FC3] =	sst s2  }
0x8f: {  	_ = 	snop  }
0x90: {  	s2 =	sld [smem:$0x3FD0];
	_ =	sdelay $0x2  }
0x91: {  	s15 =	simm.s32 $0xA;
	s4 =	simm.s32 $0x10  }
0x92: {  	[smem:s4], [sflag:s15] =	dma.local [hbm:s2], $0x1  }
0x93: {  	_ =	swait.eq [sflag:s15], $0x1  }
0x94: {  	[sflag:s15] =	ssyncset.done $0x0  }
0x95: {  	[sflag:s15] =	ssyncadd.s32 $0xFFFFFFFF  }
0x96: {  	s16 =	sld [smem:$0x10];
	(tm) =	ssettm $0x1  }
0x97: {  	s17 =	sld [smem:$0x3FFB];
	_ =	sdelay $0x3  }
0x98: {  	_ =	strace s17  }
0x99: {  	s3 =	sld [smem:$0x3FFC];
	_ =	sdelay $0x3  }
0x9a: {  	_ =	strace s3  }
0x9b: {  	s3 =	sld [smem:$0x3FFD];
	_ =	sdelay $0x3  }
0x9c: {  	_ =	strace s3  }
0x9d: {  	_ =	strace $0x8FFFFFFF  }
0x9e: {  	s18 =	sld [smem:$0x3FDB];
	_ =	sdelay $0x1  }
0x9f: {  	s19 =	simm.s32 $_scs_section_size  }
0xa0: {  	s5 =	simm.s32 $_size__tile_overlayer_lowered;
	s6 =	simm.s32 $_tile_overlayer_lowered  }
0xa1: {  	s22 =	simm.s32 $0x1BFF;
	s21 =	sshll.u32 s6, $0x1;
	s3 =	sadd.s32 s19, s18  }
0xa2: {  	s7 =	simm.s32 $0x0;
	s20 =	sshll.u32 s5, $0x1;
	s5 =	sadd.s32 s21, s3  }
0xa3: {  	[timem:s7], [sflag:s22] =	dma.local [hbm:s5], s20  }
0xa4: {  	_ =	swait.ge [sflag:s22], s20  }
0xa5: {  	s4 =	ssub.s32 $0x0, s20;
	[sflag:s22] =	ssyncset.done $0x0  }
0xa6: {  	[sflag:s22] =	ssyncadd.s32 s4;
	_ =	sdelay $0x1  }
0xa7: {  	s23 =	simm.s32 $0x1B8B  }
0xa8: {  	_ =	swait.ge [sflag:s23], $0x1  }
0xa9: {  	[sflag:s23] =	ssyncset.done $0x0  }
0xaa: {  	s25 =	simm.s32 $0x1B8E;
	s24 =	sld [smem:$0x3FFE];
	[sflag:s23] =	ssyncadd.s32 $0xFFFFFFFF  }
0xab: {  	s26 =	simm.s32 $execute0_lowered;
	[smem:$0x3FD2] =	sst s25  }
0xac: {  	s5 =	sshll.u32 s26, $0x1;
	_ =	strace $0x80000046;
	[dreg:$0x1] =	wrdreg $0xFFFFFFFF  }
0xad: {  	s28 =	simm.s32 $_size_execute0_lowered;
	s3 =	sadd.s32 s3, s5;
	[dreg:$0x0] =	wrdreg $0x0  }
0xae: {  	s5 =	sshll.u32 s28, $0x1;
	[dreg:$0x2] =	wrdreg s3  }
0xaf: {  	[dreg:$0x3] =	wrdreg s5  }
0xb0: {  	[dreg:$0x4] =	wrdreg $0xC0  }
0xb1: {  	_ =	task [dreg:s7], $0x5FFFF  }
0xb2: {  	[dreg:$0x1] =	wrdreg $0xFFFFFFFF  }
0xb3: {  	[dreg:$0x0] =	wrdreg $0x60  }
0xb4: {  	[dreg:$0x2] =	wrdreg s16  }
0xb5: {  	[dreg:$0x3] =	wrdreg s24  }
0xb6: {  	[dreg:$0x4] =	wrdreg $0x9  }
0xb7: {  	_ =	task.clear_ibuf [dreg:s7], $0x5FFFF;
	_ =	strace $0x90000046  }
0xb8: {  	s29 =	simm.s32 $0x9;
	_ =	strace $0x80000048  }
0xb9: {  	_ =	swait.ge [sflag:s29], $0x1  }
0xba: {  	[sflag:s29] =	ssyncadd.s32 $0xFFFFFFFF  }
0xbb: {  	_ =	strace $0x90000048  }
0xbc: {  	_ =	sfence  }
0xbd: {  	s30 =	sld [smem:$0x0];
	_ =	sdelay $0x2  }
0xbe: {  	s31 =	sshll.u32 s1, $0xD;
	s1 =	sshrl.u32 s1, $0x2  }
0xbf: {  	s3 =	sand.u32 $0x4000, s31;
	s1 =	sadd.s32 s1, s30  }
0xc0: {  	s0 =	sor.u32 s3, s0;
	s1 =	sshll.u32 s1, $0x11  }
0xc1: {  	s0 =	sor.u32 s1, s0  }
0xc2: {  	s0 =	sadd.s32 $0x8F2B, s0  }
0xc3: {  	[sflag:s0] =	ssyncadd.remote.s32 $0x1  }
0xc4: {  	_ =	sfence.sel $0xFFFF  }
0xc5: {  	[dreg:$0x0] =	wrdreg $0xFFFFFFFF;
	(pc) =	sbr.abs _section_cstart, $3  }
0xc6: {  	[dreg:$0x1] =	wrdreg $0xFFFFFFFF  }
0xc7: {  	_ =	task.clear_ibuf [dreg:s7], $0x2FFFF;
	_ =	strace $0x9FFFFFFF  }
0xc8: {  	(tm) =	ssettm $0x7FFFFFFF  }
0xc9: {  	_ =	shalt  }
tec
execute0_lowered:
.L_overlay_start_1:
0x0: {  	(tag) =	ssettag $0x1  }
0x1: {  	s1 =	srdreg.scid;
	s2 =	rddreg [dreg:$0x0]  }
0x2: {  	s0 =	stileid.u32;
	s5 =	rddreg [dreg:$0x1];
	s6 =	simm.s32 $0x1  }
0x3: {  	s9 =	simm.s32 $0x1;
	s10 =	simm.s32 $0x3;
	s1 =	sshll.u32 s1, $0x6  }
0x4: {  	s13 =	simm.s32 $0x0;
	s3 =	sshll.u32 s0, $0x7;
	s4 =	sand.u32 $0x40, s1  }
0x5: {  	s12 =	simm.s32 $0x0;
	s1 =	rddreg [dreg:$0x2];
	s3 =	sor.u32 s3, s4  }
0x6: {  	_ =	strace $0x80000047;
	s4 =	sadd.s32 $0x8200, s5;
	s8 =	ssub.s32 $0x1000, s3  }
.Ltmp0:
0x7: {  	s5 =	sadd.s32 $0x8600, s5;
	s7 =	sand.u32 $0x7C0, s8;
	(pc) =	sbr.rel .LBB2_1-.Ltmp0, $4  }
0x8: {  	[sflag:s6] =	ssyncpa.u1 $0x0;
	s11 =	smov.u32 s3;
	p0 =	sne.s32 s7, $0x0  }
0x9: {  	s8 =	sshrl.u32 s8, $0xB;
	s7 =	simm.s32 $0x2;
	s9 =	simm.s32 @!p0 $0x0  }
0xa: {  	[sflag:s7] =	ssyncpa.u1 $0x0;
	p0 =	por $0x0, $0x0;
	s8 =	sadd.s32 s9, s8  }
0xb: {  	vm0 =	vmmov $0xffff;
	[sflag:s10] =	ssyncpa.u1 $0x0;
	s10 =	simm.s32 $0x0;
	s9 =	sadd.s32 $0x1, s8  }
.LBB2_4:
0xc: {  	v5 =	vshrl.u32 v1, $0xC;
	v6 =	vshll.u32 v1, $0x7  }
0xd: {  	vm1 =	veq.s32 v1, $0x80000000;
	v58 =	vand.u32 $0x7, v5;
	v59 =	vand.u32 $0x7FF80, v6  }
0xe: {  	v1 =	vsel vm1, $0xFFFFFFFF, v58;
	v5 =	vsel vm1, $0xFFFFFF80, v59  }
0xf: {  	v3 =	vor.u32 v4, v3;
	v60 =	vand.u32 $0xFFFFFC00, v5;
	v61 =	vand.u32 $0xFFFFFC00, v1  }
0x10: {  	v2 =	vor.u32 v2, v3;
	v63 =	vand.u32 $0x380, v5;
	v62 =	vadd.s32 v61, v60  }
0x11: {  	v1 =	vand.u32 $0x7F, v1;
	v3 =	vor.u32 v63, v62  }
0x12: {  	v1 =	vor.u32 v1, v3  }
0x13: {  	[tilespmem:s15], [sflag:$0x1] =	stream.indirect_vreg.gather [hbm4b:s2+s10], $0x1, v0, vm0, $0x4038;
	[tilespmem:$0x100] =	vst v63  }
0x14: {  	(ifvalue) =	ssetifvalue $0x7FFFFFFF  }
0x15: {  	[tilespmem:s16], [sflag:$0x1] =	stream.indirect_vreg.gather [hbm4b:s2+s10], $0x1, v2, vm0, $0x4038;
	[tilespmem:$0x100] =	vst v63  }
0x16: {  	s29 =	sadd.s32 $0x10, s16;
	(ifvalue) =	ssetifvalue $0x7FFFFFFF  }
0x17: {  	[tilespmem:s29], [sflag:$0x1] =	stream.indirect_vreg.gather [hbm4b:s2+s10], $0x1, v1, vm0, $0x4038;
	[tilespmem:$0x100] =	vst v63  }
0x18: {  	_ =	swait.ge [sflag:s6], $0x40  }
0x19: {  	s30 =	sshrl.u32 s13, $0x3;
	[sflag:s6] =	ssyncset.done $0x0  }
0x1a: {  	s31 =	sand.u32 $0x7, s13;
	s15 =	sadd.s32 s5, s30;
	[sflag:s6] =	ssyncadd.s32 $0xFFFFFFC0  }
0x1b: {  	[hbm4b:s15+s31] =	stream.linear.scatter [tilespmem:s14], [sflag:$0x3], $0x40, $0x38;
	[tilespmem:$0x100] =	vst v63  }
.LBB2_5:
0x1c: {  	s15 =	sadd.s32 $0x800, s11  }
0x1d: {  	p2 =	sgt.s32 s15, $0xFFF  }
0x1e: {  	s15 =	smov.u32 @p2 s3;
	p2 =	sne.s32 s12, s9  }
.Ltmp1:
0x1f: {  	p1 =	slt.u32 s12, $0x2;
	(pc) =	sbr.rel @!p2 .LBB2_6-.Ltmp1, $4  }
0x20: {  	s14 =	simm.s32 @!p1 $0x3  }
0x21: {  	s16 =	sadd.s32 $0x1, s12;
	_ =	swait.ge @!p1 [sflag:s14], $0x40  }
0x22: {  	s13 =	smov.u32 s11;
	p0 =	por !p0, !p0;
	[sflag:s14] =	ssyncset.done @!p1 $0x0  }
0x23: {  	s12 =	smov.u32 s16;
	s11 =	smov.u32 s15;
	[sflag:s14] =	ssyncadd.s32 @!p1 $0xFFFFFFC0  }
.LBB2_1:
0x24: {  	p1 =	sge.u32 s12, s8  }
0x25: {  	s14 =	sxor.u32 @!p1 $0xFFFFFFFF, s12  }
0x26: {  	s31 =	sadd.s32 $0xFFFFFFFF, s12;
	s15 =	sshrl.u32 @!p1 s11, $0x3;
	s14 =	sshll.u32 @!p1 s14, $0x6  }
0x27: {  	s16 =	sand.u32 @!p1 $0x7, s11;
	s15 =	sadd.s32 @!p1 s4, s15;
	s14 =	sand.u32 @!p1 $0x40, s14  }
0x28: {  	[tilespmem:s14], [sflag:$0x2] =	stream.linear.gather @!p1 [hbm4b:s15+s16], $0x40, $0x38;
	[tilespmem:$0x100] =	vst v63  }
0x29: {  	p1 =	sge.u32 s31, s8  }
.Ltmp2:
0x2a: {  	_ = 	snop;
	(pc) =	sbr.rel @p1 .LBB2_5-.Ltmp2, $1  }
0x2b: {  	_ =	sdelay $0x3  }
0x2c: {  	s14 =	simm.s32 $0x1  }
0x2d: {  	_ =	swait.ge [sflag:s7], $0x40;
	s14 =	simm.s32 @!p0 $0x0  }
0x2e: {  	[sflag:s7] =	ssyncset.done $0x0;
	s14 =	sshll.u32 s14, $0x6  }
0x2f: {  	[sflag:s7] =	ssyncadd.s32 $0xFFFFFFC0;
	(ifvalue) =	ssetifvalue $0x7FFFFFFF;
	v0 =	vld.msk [tilespmem:s14+$0x0 ss:$0x1], $0xffff;
	_ =	sdelay $0x4  }
0x30: {  	s15 =	sadd.s32 $0x10, s14;
	v2 =	vshrl.u32 v0, $0xC;
	v3 =	vshll.u32 v0, $0x7  }
0x31: {  	v1 =	vld.msk [tilespmem:s15+$0x0 ss:$0x1], $0xffff;
	vm1 =	veq.s32 v0, $0x80000000;
	v0 =	vand.u32 $0x7, v2;
	v2 =	vand.u32 $0x7FF80, v3  }
0x32: {  	v0 =	vsel vm1, $0xFFFFFFFF, v0;
	v2 =	vsel vm1, $0xFFFFFF80, v2  }
0x33: {  	v3 =	vand.u32 $0xFFFFFC00, v2;
	v4 =	vand.u32 $0xFFFFFC00, v0  }
0x34: {  	v2 =	vand.u32 $0x380, v2;
	v3 =	vadd.s32 v4, v3  }
0x35: {  	v0 =	vand.u32 $0x7F, v0;
	v2 =	vor.u32 v2, v3  }
0x36: {  	v5 =	vshll.u32 v1, $0x7;
	v4 =	vshrl.u32 v1, $0xC;
	v0 =	vor.u32 v0, v2  }
0x37: {  	s16 =	sshll.u32 s12, $0x6;
	vm1 =	veq.s32 v1, $0x80000000;
	v1 =	vand.u32 $0x7, v4;
	v4 =	vand.u32 $0x7FF80, v5  }
0x38: {  	s16 =	sand.u32 $0x40, s16;
	s18 =	sadd.s32 $0x10, s15;
	v3 =	vsel vm1, $0xFFFFFFFF, v1;
	v4 =	vsel vm1, $0xFFFFFF80, v4  }
0x39: {  	s17 =	simm.s32 $0x20;
	s15 =	sor.u32 $0x80, s14;
	s14 =	sor.u32 $0x80, s16;
	v1 =	vld.msk [tilespmem:s18+$0x0 ss:$0x1], $0xffff;
	v5 =	vand.u32 $0xFFFFFC00, v4;
	v6 =	vand.u32 $0xFFFFFC00, v3  }
0x3a: {  	s16 =	sadd.s32 $0x10, s15;
	s18 =	sadd.s32 $0x10, s18;
	(ifvalue) =	ssetifvalue $0x7FFFFFFF;
	v2 =	vand.u32 $0x7F, v3;
	v4 =	vand.u32 $0x380, v4;
	v3 =	vadd.s32 v6, v5  }
.LBB2_3:
0x3b: {  	[tilespmem:s15], [sflag:$0x1] =	stream.indirect_vreg.gather [hbm4b:s2+s10], $0x1, v0, vm0, $0x4038;
	[tilespmem:$0x100] =	vst v63  }
0x3c: {  	s17 =	sadd.s32 $0x10, s17  }
0x3d: {  	v3 =	vor.u32 v4, v3;
	p1 =	slt.u32 s17, $0x30  }
.Ltmp3:
0x3e: {  	v4 =	vshrl.u32 v1, $0xC;
	v5 =	vshll.u32 v1, $0x7;
	s15 =	smov.u32 s16;
	v0 =	vor.u32 v2, v3;
	v2 =	vmovc v1;
	v1 =	vld.msk [tilespmem:s18+$0x0 ss:$0x1], $0xffff;
	(pc) =	sbr.rel @p1 .LBB2_3-.Ltmp3, $4  }
0x3f: {  	v3 =	vand.u32 $0x7FF80, v5;
	vm1 =	veq.s32 v2, $0x80000000;
	v2 =	vand.u32 $0x7, v4  }
0x40: {  	v4 =	vsel vm1, $0xFFFFFFFF, v2;
	v5 =	vsel vm1, $0xFFFFFF80, v3  }
0x41: {  	v2 =	vand.u32 $0x7F, v4;
	v3 =	vand.u32 $0xFFFFFC00, v5;
	v4 =	vand.u32 $0xFFFFFC00, v4  }
0x42: {  	s16 =	sadd.s32 $0x10, s16;
	s18 =	sadd.s32 $0x10, s18;
	v3 =	vadd.s32 v4, v3;
	v4 =	vand.u32 $0x380, v5;
	(ifvalue) =	ssetifvalue $0x7FFFFFFF  }
.Ltmp4:
0x43: {  	_ = 	snop;
	(pc) =	sbr.rel .LBB2_4-.Ltmp4, $1  }
0x44: {  	_ =	sdelay $0x3  }
.LBB2_6:
0x45: {  	_ =	sfence.sel $0x180000  }
0x46: {  	s2 =	simm.s32 $0x2;
	[bflag:$0x0] =	sbarrier.arrive $0xFFFF  }
0x47: {  	s30 =	simm.s32 $0x3;
	[sflag:s2] =	ssyncpa.u1 $0x1  }
0x48: {  	s31 =	simm.s32 $0x1;
	[sflag:s30] =	ssyncpa.u1 $0x1  }
0x49: {  	[sflag:s31] =	ssyncpa.u1 $0x1  }
0x4a: {  	p0 =	sne.s32 s0, $0x0;
	_ =	strace $0x90000047  }
0x4b: {  	s0 =	sadd.s32 @!p0 $0x100000, s1;
	[bflag:$0x2] =	sbarrier.arrive $0xFFFF  }
0x4c: {  	[sflag:s0] =	ssyncadd.tile.s32 @!p0 $0x1;
	_ =	shalt  }
.Lfunc_end2:
_tile_overlayer_lowered:
.L_overlay_start_2:
0x4d: {  	(tag) =	ssettag $0x2  }
0x4e: {  	s0 =	rddreg [dreg:$0x0];
	s2 =	stileid.u32  }
0x4f: {  	s1 =	rddreg [dreg:$0x1];
	p0 =	sne.s32 s2, $0x0  }
0x50: {  	s3 =	rddreg [dreg:$0x2];
	[bflag:$0x3] =	sbarrier.arrive $0xFFFF;
	s2 =	simm.s32 @!p0 $0x1C01  }
0x51: {  	[timem:s3], [sflag:s2] =	dma.local @!p0 [hbm:s0], s1  }
0x52: {  	s0 =	simm.s32 @!p0 $0x1  }
0x53: {  	_ =	swait.ge @!p0 [sflag:s0], s1  }
0x54: {  	s1 =	ssub.s32 @!p0 $0x0, s1;
	[sflag:s0] =	ssyncset.done @!p0 $0x0  }
0x55: {  	[sflag:s0] =	ssyncadd.s32 @!p0 s1  }
0x56: {  	[bflag:$0x3] =	sbarrier.arrive $0xFFFF  }
0x57: {  	_ =	shalt  }

</sc_bundles>
